<compile_context>
chip_gen: v7x
topology: tpu7x:2x2x1
jax: 0.10.2.dev20260603
libtpu: 0.0.44.dev20260713+nightly
codegen_flags: <defaults>
</compile_context>

<pallas_src>
import jax
import jax.numpy as jnp
from jax import lax
from jax.experimental import pallas as pl
from jax.experimental.pallas import tpu as pltpu
from jax.experimental.pallas import tpu_sc as plsc

F = 26
V = 100000
D = 32
B = 16384

_info = plsc.get_sparse_core_info()
NC = _info.num_cores
NSUB = _info.num_subcores
L = _info.num_lanes
NW = NC * NSUB
IC = 4096
NCHK = B // IC
UNROLL = 8


def _body(idx_hbm, tab_hbm, out_hbm,
          rowbuf, idx0, idx1, acc, sem_i0, sem_i1):
    c = lax.axis_index("c")
    s = lax.axis_index("s")
    d = c * NSUB + s

    ibufs = (idx0, idx1)
    isems = (sem_i0, sem_i1)

    @plsc.parallel_loop(0, B, step=L)
    def _zero(b):
        acc[pl.ds(b, L)] = jnp.zeros((L,), jnp.float32)

    pltpu.async_copy(idx_hbm.at[0, pl.ds(0, IC)], ibufs[0], isems[0])

    def _field(i, _f):
        pltpu.sync_copy(tab_hbm.at[i, d], rowbuf)
        inext = jnp.minimum(i + 1, F - 1)
        for ch in range(NCHK):
            p = ch % 2
            q = (ch + 1) % 2
            ib = ibufs[p]
            pltpu.make_async_copy(idx_hbm.at[0, pl.ds(0, IC)], ib, isems[p]).wait()
            if ch + 1 < NCHK:
                pltpu.async_copy(idx_hbm.at[i, pl.ds((ch + 1) * IC, IC)],
                                 ibufs[q], isems[q])
            else:
                @pl.when(i + 1 < F)
                def _prefetch_next_field():
                    pltpu.async_copy(idx_hbm.at[inext, pl.ds(0, IC)],
                                     ibufs[q], isems[q])
            base = ch * IC

            @plsc.parallel_loop(0, IC, step=L, unroll=UNROLL)
            def _gather(b):
                v = ib[pl.ds(b, L)]
                vals = plsc.load_gather(rowbuf, [v])
                plsc.addupdate(acc.at[pl.ds(base + b, L)], vals)

        return 0

    lax.fori_loop(0, F, _field, 0)
    pltpu.sync_copy(acc, out_hbm.at[d])


def kernel(inputs, tables):
    idx_t = jnp.transpose(inputs).astype(jnp.int32)
    tab_t = jnp.transpose(tables, (0, 2, 1))
    mesh = plsc.VectorSubcoreMesh(core_axis_name="c", subcore_axis_name="s")
    f = pl.kernel(
        _body,
        out_type=jax.ShapeDtypeStruct((D, B), jnp.float32),
        mesh=mesh,
        scratch_types=[
            pltpu.VMEM((V,), jnp.float32),
            pltpu.VMEM((IC,), jnp.int32),
            pltpu.VMEM((IC,), jnp.int32),
            pltpu.VMEM((B,), jnp.float32),
            pltpu.SemaphoreType.DMA,
            pltpu.SemaphoreType.DMA,
        ],
        compiler_params=pltpu.CompilerParams(needs_layout_passes=False),
    )
    out_t = f(idx_t, tab_t)
    return jnp.transpose(out_t)

# --- scband reference (transcript-rebuilt; emitter-appended) ---
"""Pipeline reference for scband-multi-feature-encoder-68461778698618 (READ-ONLY COPY).

The authoritative reference and input builder live on the scoring server;
editing this copy changes nothing except your own understanding.
"""

import jax, jax.numpy as jnp
import numpy as np

NUM_FIELDS = 26
VOCAB = 100000
EMB_DIM = 32
BATCH = 16384


def setup_inputs(seed: int = 0) -> dict:
    key = jax.random.key(seed)
    k_idx, k_tab = jax.random.split(key)
    inputs = jax.random.randint(k_idx, (BATCH, NUM_FIELDS), 0, VOCAB, dtype=jnp.int64 if jax.config.jax_enable_x64 else jnp.int32)
    # stacked embedding tables: one per feature, each [VOCAB, EMB_DIM]
    tables = jax.random.normal(k_tab, (NUM_FIELDS, VOCAB, EMB_DIM), dtype=jnp.float32) * 0.05
    return {"inputs": inputs, "tables": tables}


def reference(inputs, tables):
    # MultiFeatureEncoder.call: sum of per-field embedding lookups
    out = jnp.zeros((inputs.shape[0], tables.shape[-1]), dtype=jnp.float32)
    for i in range(tables.shape[0]):
        out = out + jnp.take(tables[i], inputs[:, i], axis=0)
    return out

if __name__ == "__main__":
    import jax
    _d = setup_inputs()
    print(jax.jit(kernel)(*tuple(_d.values())))

</pallas_src>

<mosaic_0001>
#map = affine_map<(d0, d1) -> (0, 0)>
#map1 = affine_map<(d0, d1) -> (0, 0, 0)>
module attributes {stable_mosaic.version = 14 : i64} {
  func.func @_body(%arg0: i32, %arg1: i32, %arg2: memref<26x16384xi32, #tpu.memory_space<hbm>>, %arg3: memref<26x32x100000xf32, #tpu.memory_space<hbm>>, %arg4: memref<32x16384xf32, #tpu.memory_space<hbm>>, %arg5: memref<100000xf32, #tpu.memory_space<vmem>>, %arg6: memref<4096xi32, #tpu.memory_space<vmem>>, %arg7: memref<4096xi32, #tpu.memory_space<vmem>>, %arg8: memref<16384xf32, #tpu.memory_space<vmem>>, %arg9: memref<!tpu.dma_semaphore, #tpu.memory_space<semaphore_mem>>, %arg10: memref<!tpu.dma_semaphore, #tpu.memory_space<semaphore_mem>>) attributes {dimension_semantics = [#tpu.dimension_semantics<core_parallel>, #tpu.dimension_semantics<subcore_parallel>], iteration_bounds = array<i64: 2, 16>, scalar_prefetch = 0 : i64, scratch_operands = 6 : i64, tpu.core_type = #tpu.core_type<sc_vector_subcore>, window_params = [{transform_indices = #map}, {transform_indices = #map1}, {transform_indices = #map}]} {
    %mul3A = arith.constant 16 : i32
    %mul3A_0 = arith.muli %arg0, %mul3A : i32
    %add3A = arith.addi %mul3A_0, %arg1 : i32
    %parallel_loop3A = arith.constant 0 : i32
    %parallel_loop3A_1 = arith.constant 16384 : i32
    %parallel_loop3A_2 = arith.constant 16 : i32
    scf.for %parallel_loop3A_15 = %parallel_loop3A to %parallel_loop3A_1 step %parallel_loop3A_2  : i32 {
      %parallel_loop3A_16 = arith.constant 0.000000e+00 : f32
      %parallel_loop3A_17 = vector.broadcast %parallel_loop3A_16 : f32 to vector<16xf32>
      %parallel_loop3A_18 = arith.index_cast %parallel_loop3A_15 : i32 to index
      %parallel_loop3A_19 = tpu.vector_load %arg8[%parallel_loop3A_18] {strides = array<i32>} : memref<16384xf32, #tpu.memory_space<vmem>>, vector<16xf32>,
      tpu.vector_store %arg8[%parallel_loop3A_18], %parallel_loop3A_17 {strides = array<i32>} : memref<16384xf32, #tpu.memory_space<vmem>>, vector<16xf32>,
    } {sc.loop_unroll_factor = 1 : i64, sc.parallel_access}
    %dma_start3A = arith.constant 0 : i32
    %dma_start3A_3 = arith.constant 0 : i32
    %dma_start3A_4 = tpu.memref_slice %arg2[%dma_start3A, %dma_start3A_3] : memref<26x16384xi32, #tpu.memory_space<hbm>> -> memref<1x4096xi32, #tpu.memory_space<hbm>>
    %dma_start3A_5 = tpu.memref_squeeze %dma_start3A_4 : memref<1x4096xi32, #tpu.memory_space<hbm>> -> memref<4096xi32, #tpu.memory_space<hbm>>
    %dma_start3A_6 = arith.constant 0 : i32
    %dma_start3A_7 = tpu.memref_slice %arg2[%dma_start3A, %dma_start3A_6] : memref<26x16384xi32, #tpu.memory_space<hbm>> -> memref<1x4096xi32, #tpu.memory_space<hbm>>
    %dma_start3A_8 = tpu.memref_squeeze %dma_start3A_7 : memref<1x4096xi32, #tpu.memory_space<hbm>> -> memref<4096xi32, #tpu.memory_space<hbm>>
    tpu.enqueue_dma source(%dma_start3A_8 : memref<4096xi32, #tpu.memory_space<hbm>>) target(%arg6 : memref<4096xi32, #tpu.memory_space<vmem>>) target_semaphore(%arg9 : memref<!tpu.dma_semaphore, #tpu.memory_space<semaphore_mem>>)
    %scan3A = arith.constant 0 : i32
    %scan3A_9 = arith.constant 0 : i32
    %scan3A_10 = arith.constant 26 : i32
    %scan3A_11 = arith.addi %scan3A_9, %scan3A_10 : i32
    %scan3A_12 = arith.constant 1 : i32
    %scan3A_13 = scf.for %scan3A_15 = %scan3A_9 to %scan3A_11 step %scan3A_12 iter_args(%scan3A_16 = %scan3A) -> (i32)  : i32 {
      "tpu.region"() ({
        %run_scoped3A = tpu.sem_alloc : memref<!tpu.dma_semaphore, #tpu.memory_space<semaphore_mem>>
        %dma_start3A_82 = arith.constant 0 : i32
        %dma_start3A_83 = tpu.memref_slice %arg3[%scan3A_15, %add3A, %dma_start3A_82] : memref<26x32x100000xf32, #tpu.memory_space<hbm>> -> memref<1x1x100000xf32, #tpu.memory_space<hbm>>
        %dma_start3A_84 = tpu.memref_squeeze %dma_start3A_83 : memref<1x1x100000xf32, #tpu.memory_space<hbm>> -> memref<100000xf32, #tpu.memory_space<hbm>>
        %dma_start3A_85 = arith.constant 0 : i32
        %dma_start3A_86 = tpu.memref_slice %arg3[%scan3A_15, %add3A, %dma_start3A_85] : memref<26x32x100000xf32, #tpu.memory_space<hbm>> -> memref<1x1x100000xf32, #tpu.memory_space<hbm>>
        %dma_start3A_87 = tpu.memref_squeeze %dma_start3A_86 : memref<1x1x100000xf32, #tpu.memory_space<hbm>> -> memref<100000xf32, #tpu.memory_space<hbm>>
        tpu.enqueue_dma source(%dma_start3A_87 : memref<100000xf32, #tpu.memory_space<hbm>>) target(%arg5 : memref<100000xf32, #tpu.memory_space<vmem>>) target_semaphore(%run_scoped3A : memref<!tpu.dma_semaphore, #tpu.memory_space<semaphore_mem>>)
        %dma_wait3A_88 = arith.constant 0 : i32
        %dma_wait3A_89 = tpu.memref_slice %arg3[%scan3A_15, %add3A, %dma_wait3A_88] : memref<26x32x100000xf32, #tpu.memory_space<hbm>> -> memref<1x1x100000xf32, #tpu.memory_space<hbm>>
        %dma_wait3A_90 = tpu.memref_squeeze %dma_wait3A_89 : memref<1x1x100000xf32, #tpu.memory_space<hbm>> -> memref<100000xf32, #tpu.memory_space<hbm>>
        %dma_wait3A_91 = arith.constant 0 : i32
        %dma_wait3A_92 = tpu.memref_slice %arg3[%scan3A_15, %add3A, %dma_wait3A_91] : memref<26x32x100000xf32, #tpu.memory_space<hbm>> -> memref<1x1x100000xf32, #tpu.memory_space<hbm>>
        %dma_wait3A_93 = tpu.memref_squeeze %dma_wait3A_92 : memref<1x1x100000xf32, #tpu.memory_space<hbm>> -> memref<100000xf32, #tpu.memory_space<hbm>>
        tpu.wait_dma2 semaphore(%run_scoped3A : memref<!tpu.dma_semaphore, #tpu.memory_space<semaphore_mem>>) src(%dma_wait3A_93 : memref<100000xf32, #tpu.memory_space<hbm>>) dst(%arg5 : memref<100000xf32, #tpu.memory_space<vmem>>)
        tpu.yield
      }) : () -> ()
      %add3A_17 = arith.constant 1 : i32
      %add3A_18 = arith.addi %scan3A_15, %add3A_17 : i32
      %min3A = arith.constant 25 : i32
      %min3A_19 = arith.minsi %add3A_18, %min3A : i32
      %dma_wait3A = arith.constant 0 : i32
      %dma_wait3A_20 = arith.constant 0 : i32
      %dma_wait3A_21 = tpu.memref_slice %arg2[%dma_wait3A, %dma_wait3A_20] : memref<26x16384xi32, #tpu.memory_space<hbm>> -> memref<1x4096xi32, #tpu.memory_space<hbm>>
      %dma_wait3A_22 = tpu.memref_squeeze %dma_wait3A_21 : memref<1x4096xi32, #tpu.memory_space<hbm>> -> memref<4096xi32, #tpu.memory_space<hbm>>
      %dma_wait3A_23 = arith.constant 0 : i32
      %dma_wait3A_24 = tpu.memref_slice %arg2[%dma_wait3A, %dma_wait3A_23] : memref<26x16384xi32, #tpu.memory_space<hbm>> -> memref<1x4096xi32, #tpu.memory_space<hbm>>
      %dma_wait3A_25 = tpu.memref_squeeze %dma_wait3A_24 : memref<1x4096xi32, #tpu.memory_space<hbm>> -> memref<4096xi32, #tpu.memory_space<hbm>>
      tpu.wait_dma2 semaphore(%arg9 : memref<!tpu.dma_semaphore, #tpu.memory_space<semaphore_mem>>) src(%dma_wait3A_25 : memref<4096xi32, #tpu.memory_space<hbm>>) dst(%arg6 : memref<4096xi32, #tpu.memory_space<vmem>>)
      %dma_start3A_26 = arith.constant 4096 : i32
      %dma_start3A_27 = tpu.memref_slice %arg2[%scan3A_15, %dma_start3A_26] : memref<26x16384xi32, #tpu.memory_space<hbm>> -> memref<1x4096xi32, #tpu.memory_space<hbm>>
      %dma_start3A_28 = tpu.memref_squeeze %dma_start3A_27 : memref<1x4096xi32, #tpu.memory_space<hbm>> -> memref<4096xi32, #tpu.memory_space<hbm>>
      %dma_start3A_29 = arith.constant 4096 : i32
      %dma_start3A_30 = tpu.memref_slice %arg2[%scan3A_15, %dma_start3A_29] : memref<26x16384xi32, #tpu.memory_space<hbm>> -> memref<1x4096xi32, #tpu.memory_space<hbm>>
      %dma_start3A_31 = tpu.memref_squeeze %dma_start3A_30 : memref<1x4096xi32, #tpu.memory_space<hbm>> -> memref<4096xi32, #tpu.memory_space<hbm>>
      tpu.enqueue_dma source(%dma_start3A_31 : memref<4096xi32, #tpu.memory_space<hbm>>) target(%arg7 : memref<4096xi32, #tpu.memory_space<vmem>>) target_semaphore(%arg10 : memref<!tpu.dma_semaphore, #tpu.memory_space<semaphore_mem>>)
      %parallel_loop3A_32 = arith.constant 0 : i32
      %parallel_loop3A_33 = arith.constant 4096 : i32
      %parallel_loop3A_34 = arith.constant 16 : i32
      scf.for %parallel_loop3A_82 = %parallel_loop3A_32 to %parallel_loop3A_33 step %parallel_loop3A_34  : i32 {
        %parallel_loop3A_83 = arith.index_cast %parallel_loop3A_82 : i32 to index
        %parallel_loop3A_84 = tpu.vector_load %arg6[%parallel_loop3A_83] {strides = array<i32>} : memref<4096xi32, #tpu.memory_space<vmem>>, vector<16xi32>,
        %parallel_loop3A_85 = tpu.vector_load_idx %arg5[%parallel_loop3A_84] : memref<100000xf32, #tpu.memory_space<vmem>>[vector<16xi32>], vector<16xf32>,
        %parallel_loop3A_86 = arith.constant 0 : i32
        %parallel_loop3A_87 = arith.addi %parallel_loop3A_86, %parallel_loop3A_82 : i32
        %parallel_loop3A_88 = arith.index_cast %parallel_loop3A_87 : i32 to index
        %parallel_loop3A_89 = tpu.vector_load %arg8[%parallel_loop3A_88] {strides = array<i32>} : memref<16384xf32, #tpu.memory_space<vmem>>, vector<16xf32>,
        tpu.vector_store %arg8[%parallel_loop3A_88], %parallel_loop3A_85 {add = true, strides = array<i32>} : memref<16384xf32, #tpu.memory_space<vmem>>, vector<16xf32>,
      } {sc.loop_unroll_factor = 8 : i64, sc.parallel_access}
      %dma_wait3A_35 = arith.constant 0 : i32
      %dma_wait3A_36 = arith.constant 0 : i32
      %dma_wait3A_37 = tpu.memref_slice %arg2[%dma_wait3A_35, %dma_wait3A_36] : memref<26x16384xi32, #tpu.memory_space<hbm>> -> memref<1x4096xi32, #tpu.memory_space<hbm>>
      %dma_wait3A_38 = tpu.memref_squeeze %dma_wait3A_37 : memref<1x4096xi32, #tpu.memory_space<hbm>> -> memref<4096xi32, #tpu.memory_space<hbm>>
      %dma_wait3A_39 = arith.constant 0 : i32
      %dma_wait3A_40 = tpu.memref_slice %arg2[%dma_wait3A_35, %dma_wait3A_39] : memref<26x16384xi32, #tpu.memory_space<hbm>> -> memref<1x4096xi32, #tpu.memory_space<hbm>>
      %dma_wait3A_41 = tpu.memref_squeeze %dma_wait3A_40 : memref<1x4096xi32, #tpu.memory_space<hbm>> -> memref<4096xi32, #tpu.memory_space<hbm>>
      tpu.wait_dma2 semaphore(%arg10 : memref<!tpu.dma_semaphore, #tpu.memory_space<semaphore_mem>>) src(%dma_wait3A_41 : memref<4096xi32, #tpu.memory_space<hbm>>) dst(%arg7 : memref<4096xi32, #tpu.memory_space<vmem>>)
      %dma_start3A_42 = arith.constant 8192 : i32
      %dma_start3A_43 = tpu.memref_slice %arg2[%scan3A_15, %dma_start3A_42] : memref<26x16384xi32, #tpu.memory_space<hbm>> -> memref<1x4096xi32, #tpu.memory_space<hbm>>
      %dma_start3A_44 = tpu.memref_squeeze %dma_start3A_43 : memref<1x4096xi32, #tpu.memory_space<hbm>> -> memref<4096xi32, #tpu.memory_space<hbm>>
      %dma_start3A_45 = arith.constant 8192 : i32
      %dma_start3A_46 = tpu.memref_slice %arg2[%scan3A_15, %dma_start3A_45] : memref<26x16384xi32, #tpu.memory_space<hbm>> -> memref<1x4096xi32, #tpu.memory_space<hbm>>
      %dma_start3A_47 = tpu.memref_squeeze %dma_start3A_46 : memref<1x4096xi32, #tpu.memory_space<hbm>> -> memref<4096xi32, #tpu.memory_space<hbm>>
      tpu.enqueue_dma source(%dma_start3A_47 : memref<4096xi32, #tpu.memory_space<hbm>>) target(%arg6 : memref<4096xi32, #tpu.memory_space<vmem>>) target_semaphore(%arg9 : memref<!tpu.dma_semaphore, #tpu.memory_space<semaphore_mem>>)
      %parallel_loop3A_48 = arith.constant 0 : i32
      %parallel_loop3A_49 = arith.constant 4096 : i32
      %parallel_loop3A_50 = arith.constant 16 : i32
      scf.for %parallel_loop3A_82 = %parallel_loop3A_48 to %parallel_loop3A_49 step %parallel_loop3A_50  : i32 {
        %parallel_loop3A_83 = arith.index_cast %parallel_loop3A_82 : i32 to index
        %parallel_loop3A_84 = tpu.vector_load %arg7[%parallel_loop3A_83] {strides = array<i32>} : memref<4096xi32, #tpu.memory_space<vmem>>, vector<16xi32>,
        %parallel_loop3A_85 = tpu.vector_load_idx %arg5[%parallel_loop3A_84] : memref<100000xf32, #tpu.memory_space<vmem>>[vector<16xi32>], vector<16xf32>,
        %parallel_loop3A_86 = arith.constant 4096 : i32
        %parallel_loop3A_87 = arith.addi %parallel_loop3A_86, %parallel_loop3A_82 : i32
        %parallel_loop3A_88 = arith.index_cast %parallel_loop3A_87 : i32 to index
        %parallel_loop3A_89 = tpu.vector_load %arg8[%parallel_loop3A_88] {strides = array<i32>} : memref<16384xf32, #tpu.memory_space<vmem>>, vector<16xf32>,
        tpu.vector_store %arg8[%parallel_loop3A_88], %parallel_loop3A_85 {add = true, strides = array<i32>} : memref<16384xf32, #tpu.memory_space<vmem>>, vector<16xf32>,
      } {sc.loop_unroll_factor = 8 : i64, sc.parallel_access}
      %dma_wait3A_51 = arith.constant 0 : i32
      %dma_wait3A_52 = arith.constant 0 : i32
      %dma_wait3A_53 = tpu.memref_slice %arg2[%dma_wait3A_51, %dma_wait3A_52] : memref<26x16384xi32, #tpu.memory_space<hbm>> -> memref<1x4096xi32, #tpu.memory_space<hbm>>
      %dma_wait3A_54 = tpu.memref_squeeze %dma_wait3A_53 : memref<1x4096xi32, #tpu.memory_space<hbm>> -> memref<4096xi32, #tpu.memory_space<hbm>>
      %dma_wait3A_55 = arith.constant 0 : i32
      %dma_wait3A_56 = tpu.memref_slice %arg2[%dma_wait3A_51, %dma_wait3A_55] : memref<26x16384xi32, #tpu.memory_space<hbm>> -> memref<1x4096xi32, #tpu.memory_space<hbm>>
      %dma_wait3A_57 = tpu.memref_squeeze %dma_wait3A_56 : memref<1x4096xi32, #tpu.memory_space<hbm>> -> memref<4096xi32, #tpu.memory_space<hbm>>
      tpu.wait_dma2 semaphore(%arg9 : memref<!tpu.dma_semaphore, #tpu.memory_space<semaphore_mem>>) src(%dma_wait3A_57 : memref<4096xi32, #tpu.memory_space<hbm>>) dst(%arg6 : memref<4096xi32, #tpu.memory_space<vmem>>)
      %dma_start3A_58 = arith.constant 12288 : i32
      %dma_start3A_59 = tpu.memref_slice %arg2[%scan3A_15, %dma_start3A_58] : memref<26x16384xi32, #tpu.memory_space<hbm>> -> memref<1x4096xi32, #tpu.memory_space<hbm>>
      %dma_start3A_60 = tpu.memref_squeeze %dma_start3A_59 : memref<1x4096xi32, #tpu.memory_space<hbm>> -> memref<4096xi32, #tpu.memory_space<hbm>>
      %dma_start3A_61 = arith.constant 12288 : i32
      %dma_start3A_62 = tpu.memref_slice %arg2[%scan3A_15, %dma_start3A_61] : memref<26x16384xi32, #tpu.memory_space<hbm>> -> memref<1x4096xi32, #tpu.memory_space<hbm>>
      %dma_start3A_63 = tpu.memref_squeeze %dma_start3A_62 : memref<1x4096xi32, #tpu.memory_space<hbm>> -> memref<4096xi32, #tpu.memory_space<hbm>>
      tpu.enqueue_dma source(%dma_start3A_63 : memref<4096xi32, #tpu.memory_space<hbm>>) target(%arg7 : memref<4096xi32, #tpu.memory_space<vmem>>) target_semaphore(%arg10 : memref<!tpu.dma_semaphore, #tpu.memory_space<semaphore_mem>>)
      %parallel_loop3A_64 = arith.constant 0 : i32
      %parallel_loop3A_65 = arith.constant 4096 : i32
      %parallel_loop3A_66 = arith.constant 16 : i32
      scf.for %parallel_loop3A_82 = %parallel_loop3A_64 to %parallel_loop3A_65 step %parallel_loop3A_66  : i32 {
        %parallel_loop3A_83 = arith.index_cast %parallel_loop3A_82 : i32 to index
        %parallel_loop3A_84 = tpu.vector_load %arg6[%parallel_loop3A_83] {strides = array<i32>} : memref<4096xi32, #tpu.memory_space<vmem>>, vector<16xi32>,
        %parallel_loop3A_85 = tpu.vector_load_idx %arg5[%parallel_loop3A_84] : memref<100000xf32, #tpu.memory_space<vmem>>[vector<16xi32>], vector<16xf32>,
        %parallel_loop3A_86 = arith.constant 8192 : i32
        %parallel_loop3A_87 = arith.addi %parallel_loop3A_86, %parallel_loop3A_82 : i32
        %parallel_loop3A_88 = arith.index_cast %parallel_loop3A_87 : i32 to index
        %parallel_loop3A_89 = tpu.vector_load %arg8[%parallel_loop3A_88] {strides = array<i32>} : memref<16384xf32, #tpu.memory_space<vmem>>, vector<16xf32>,
        tpu.vector_store %arg8[%parallel_loop3A_88], %parallel_loop3A_85 {add = true, strides = array<i32>} : memref<16384xf32, #tpu.memory_space<vmem>>, vector<16xf32>,
      } {sc.loop_unroll_factor = 8 : i64, sc.parallel_access}
      %dma_wait3A_67 = arith.constant 0 : i32
      %dma_wait3A_68 = arith.constant 0 : i32
      %dma_wait3A_69 = tpu.memref_slice %arg2[%dma_wait3A_67, %dma_wait3A_68] : memref<26x16384xi32, #tpu.memory_space<hbm>> -> memref<1x4096xi32, #tpu.memory_space<hbm>>
      %dma_wait3A_70 = tpu.memref_squeeze %dma_wait3A_69 : memref<1x4096xi32, #tpu.memory_space<hbm>> -> memref<4096xi32, #tpu.memory_space<hbm>>
      %dma_wait3A_71 = arith.constant 0 : i32
      %dma_wait3A_72 = tpu.memref_slice %arg2[%dma_wait3A_67, %dma_wait3A_71] : memref<26x16384xi32, #tpu.memory_space<hbm>> -> memref<1x4096xi32, #tpu.memory_space<hbm>>
      %dma_wait3A_73 = tpu.memref_squeeze %dma_wait3A_72 : memref<1x4096xi32, #tpu.memory_space<hbm>> -> memref<4096xi32, #tpu.memory_space<hbm>>
      tpu.wait_dma2 semaphore(%arg10 : memref<!tpu.dma_semaphore, #tpu.memory_space<semaphore_mem>>) src(%dma_wait3A_73 : memref<4096xi32, #tpu.memory_space<hbm>>) dst(%arg7 : memref<4096xi32, #tpu.memory_space<vmem>>)
      %add3A_74 = arith.constant 1 : i32
      %add3A_75 = arith.addi %scan3A_15, %add3A_74 : i32
      %lt3A = arith.constant 26 : i32
      %lt3A_76 = arith.cmpi slt, %add3A_75, %lt3A : i32
      %convert_element_type3A = arith.extui %lt3A_76 : i1 to i32
      %cond3A = arith.constant 0 : i32
      %cond3A_77 = arith.cmpi ne, %convert_element_type3A, %cond3A : i32
      scf.if %cond3A_77 {
        %dma_start3A_82 = arith.constant 0 : i32
        %dma_start3A_83 = tpu.memref_slice %arg2[%min3A_19, %dma_start3A_82] : memref<26x16384xi32, #tpu.memory_space<hbm>> -> memref<1x4096xi32, #tpu.memory_space<hbm>>
        %dma_start3A_84 = tpu.memref_squeeze %dma_start3A_83 : memref<1x4096xi32, #tpu.memory_space<hbm>> -> memref<4096xi32, #tpu.memory_space<hbm>>
        %dma_start3A_85 = arith.constant 0 : i32
        %dma_start3A_86 = tpu.memref_slice %arg2[%min3A_19, %dma_start3A_85] : memref<26x16384xi32, #tpu.memory_space<hbm>> -> memref<1x4096xi32, #tpu.memory_space<hbm>>
        %dma_start3A_87 = tpu.memref_squeeze %dma_start3A_86 : memref<1x4096xi32, #tpu.memory_space<hbm>> -> memref<4096xi32, #tpu.memory_space<hbm>>
        tpu.enqueue_dma source(%dma_start3A_87 : memref<4096xi32, #tpu.memory_space<hbm>>) target(%arg6 : memref<4096xi32, #tpu.memory_space<vmem>>) target_semaphore(%arg9 : memref<!tpu.dma_semaphore, #tpu.memory_space<semaphore_mem>>)
      } else {
      }
      %parallel_loop3A_78 = arith.constant 0 : i32
      %parallel_loop3A_79 = arith.constant 4096 : i32
      %parallel_loop3A_80 = arith.constant 16 : i32
      scf.for %parallel_loop3A_82 = %parallel_loop3A_78 to %parallel_loop3A_79 step %parallel_loop3A_80  : i32 {
        %parallel_loop3A_83 = arith.index_cast %parallel_loop3A_82 : i32 to index
        %parallel_loop3A_84 = tpu.vector_load %arg7[%parallel_loop3A_83] {strides = array<i32>} : memref<4096xi32, #tpu.memory_space<vmem>>, vector<16xi32>,
        %parallel_loop3A_85 = tpu.vector_load_idx %arg5[%parallel_loop3A_84] : memref<100000xf32, #tpu.memory_space<vmem>>[vector<16xi32>], vector<16xf32>,
        %parallel_loop3A_86 = arith.constant 12288 : i32
        %parallel_loop3A_87 = arith.addi %parallel_loop3A_86, %parallel_loop3A_82 : i32
        %parallel_loop3A_88 = arith.index_cast %parallel_loop3A_87 : i32 to index
        %parallel_loop3A_89 = tpu.vector_load %arg8[%parallel_loop3A_88] {strides = array<i32>} : memref<16384xf32, #tpu.memory_space<vmem>>, vector<16xf32>,
        tpu.vector_store %arg8[%parallel_loop3A_88], %parallel_loop3A_85 {add = true, strides = array<i32>} : memref<16384xf32, #tpu.memory_space<vmem>>, vector<16xf32>,
      } {sc.loop_unroll_factor = 8 : i64, sc.parallel_access}
      %scan3A_81 = arith.constant 0 : i32
      scf.yield %scan3A_81 : i32
    }
    %scan3A_14 = arith.constant 26 : i32
    "tpu.region"() ({
      %run_scoped3A = tpu.sem_alloc : memref<!tpu.dma_semaphore, #tpu.memory_space<semaphore_mem>>
      %dma_start3A_15 = arith.constant 0 : i32
      %dma_start3A_16 = tpu.memref_slice %arg4[%add3A, %dma_start3A_15] : memref<32x16384xf32, #tpu.memory_space<hbm>> -> memref<1x16384xf32, #tpu.memory_space<hbm>>
      %dma_start3A_17 = tpu.memref_squeeze %dma_start3A_16 : memref<1x16384xf32, #tpu.memory_space<hbm>> -> memref<16384xf32, #tpu.memory_space<hbm>>
      %dma_start3A_18 = arith.constant 0 : i32
      %dma_start3A_19 = tpu.memref_slice %arg4[%add3A, %dma_start3A_18] : memref<32x16384xf32, #tpu.memory_space<hbm>> -> memref<1x16384xf32, #tpu.memory_space<hbm>>
      %dma_start3A_20 = tpu.memref_squeeze %dma_start3A_19 : memref<1x16384xf32, #tpu.memory_space<hbm>> -> memref<16384xf32, #tpu.memory_space<hbm>>
      tpu.enqueue_dma source(%arg8 : memref<16384xf32, #tpu.memory_space<vmem>>) target(%dma_start3A_20 : memref<16384xf32, #tpu.memory_space<hbm>>) target_semaphore(%run_scoped3A : memref<!tpu.dma_semaphore, #tpu.memory_space<semaphore_mem>>)
      %dma_wait3A = arith.constant 0 : i32
      %dma_wait3A_21 = tpu.memref_slice %arg4[%add3A, %dma_wait3A] : memref<32x16384xf32, #tpu.memory_space<hbm>> -> memref<1x16384xf32, #tpu.memory_space<hbm>>
      %dma_wait3A_22 = tpu.memref_squeeze %dma_wait3A_21 : memref<1x16384xf32, #tpu.memory_space<hbm>> -> memref<16384xf32, #tpu.memory_space<hbm>>
      %dma_wait3A_23 = arith.constant 0 : i32
      %dma_wait3A_24 = tpu.memref_slice %arg4[%add3A, %dma_wait3A_23] : memref<32x16384xf32, #tpu.memory_space<hbm>> -> memref<1x16384xf32, #tpu.memory_space<hbm>>
      %dma_wait3A_25 = tpu.memref_squeeze %dma_wait3A_24 : memref<1x16384xf32, #tpu.memory_space<hbm>> -> memref<16384xf32, #tpu.memory_space<hbm>>
      tpu.wait_dma2 semaphore(%run_scoped3A : memref<!tpu.dma_semaphore, #tpu.memory_space<semaphore_mem>>) src(%arg8 : memref<16384xf32, #tpu.memory_space<vmem>>) dst(%dma_wait3A_25 : memref<16384xf32, #tpu.memory_space<hbm>>)
      tpu.yield
    }) : () -> ()
    return
  }
}

</mosaic_0001>

<sc_bundles>
// kernel: kernel.3.cloned.1.call-start
scs
__scs_entry_jumppad:
0x0: {  	(pc) =	sbr.rel $0x88, $3  }
0x1: {  	(tag) =	ssettag $0x0;
	lr =	simm.s32 $0x1  }
0x2: {  	[smem:$0x3F9F] =	sst lr;
	_ =	strace $0xD0000000  }
0x3: {  	_ = 	snop  }
0x4: {  	_ = 	snop  }
0x5: {  	_ = 	snop  }
0x6: {  	_ = 	snop  }
0x7: {  	_ = 	snop  }
__scs_overlays_trampoline_lowered:
0x8: {  	[smem:$0x3FAE] =	sst s0  }
0x9: {  	[smem:$0x3FAF] =	sst s1  }
0xa: {  	[smem:$0x3FB0] =	sst s2  }
0xb: {  	[smem:$0x3FB1] =	sst s3  }
0xc: {  	[smem:$0x3FB2] =	sst s4  }
0xd: {  	[smem:$0x3FB3] =	sst s5  }
0xe: {  	[smem:$0x3FB4] =	sst s6  }
0xf: {  	[smem:$0x3FB5] =	sst s7  }
0x10: {  	[smem:$0x3FB6] =	sst s8  }
0x11: {  	[smem:$0x3FB7] =	sst s9;
	s0 =	simm.s32 @!p0 $0x0  }
0x12: {  	s1 =	sld [smem:$0x3F9D];
	s0 =	simm.s32 @p0 $0x1  }
0x13: {  	[smem:$0x3FB8] =	sst s0;
	s0 =	simm.s32 @!p1 $0x0  }
0x14: {  	s2 =	sld [smem:$0x3F9C];
	s0 =	simm.s32 @p1 $0x1  }
0x15: {  	[smem:$0x3FB9] =	sst s0;
	s0 =	simm.s32 @!p2 $0x0  }
0x16: {  	s3 =	sld [smem:$0x3FDB];
	s0 =	simm.s32 @p2 $0x1  }
0x17: {  	s4 =	simm.s32 $0x1BF5;
	[smem:$0x3FBB] =	sst s0  }
0x18: {  	s0 =	sld [smem:$0x3F9E];
	_ =	swait.ge [sflag:s4], $0x0  }
0x19: {  	s7 =	sld [smem:$0x3F9F]  }
0x1a: {  	s8 =	sadd.s32 $0xFFFFE003, lr  }
0x1b: {  	s9 =	sadd.s32 $0xFFFFFEF7, lr;
	s5 =	simm.s32 $0xFFFFFFFF;
	p2 =	slt.u32 s8, $0xFFFFF086  }
0x1c: {  	p1 =	slt.u32 s9, $0xF7A;
	s5 =	simm.s32 @!p2 $0x0  }
0x1d: {  	s5 =	simm.s32 @p1 $0x1;
	p0 =	seq.s32 s7, s2  }
0x1e: {  	s7 =	smul.u32 @!p0 $0xF7A, s2;
	p2 =	seq.s32 @!p0 s5, $0x0  }
0x1f: {  	s9 =	smul.u32 $0xF7A, s1;
	s8 =	simm.s32 @!p0 $0x1BF5;
	p2 =	por !p2, p0  }
0x20: {  	[sflag:s8] =	ssyncset.s32 @!p0 $0xFFFFF086;
	s6 =	sadd.s32 @!p0 s3, s7;
	s7 =	simm.s32 @!p0 $0x108  }
0x21: {  	s3 =	sadd.s32 s3, s9;
	s6 =	sadd.s32 @!p0 $0x88, s6;
	s7 =	simm.s32 @p2 $0x1082  }
0x22: {  	[simem:s7], [sflag:s8] =	dma.local @!p0 [hbm:s6], $0xF7A  }
0x23: {  	s9 =	sor.u32 $0xD0000000, s2;
	s6 =	simm.s32 $0x108;
	_ =	swait.ge @!p0 [sflag:s8], $0x0  }
0x24: {  	s3 =	sadd.s32 $0x88, s3;
	s6 =	simm.s32 @!p1 $0x1082;
	[sflag:s4] =	ssyncset.s32 $0xFFFFF086  }
0x25: {  	[simem:s6], [sflag:s4] =	dma.local [hbm:s3], $0xF7A  }
0x26: {  	[smem:$0x3F9F] =	sst s1;
	(tag) =	ssettag s2;
	_ =	strace s9  }
0x27: {  	s1 =	sld [smem:$0x3FAF]  }
0x28: {  	s2 =	sld [smem:$0x3FB0]  }
0x29: {  	s4 =	sld [smem:$0x3FB2]  }
0x2a: {  	p0 =	seq.s32 s5, $0x0;
	s5 =	sld [smem:$0x3FB3]  }
0x2b: {  	s6 =	sld [smem:$0x3FB4]  }
0x2c: {  	s7 =	sld [smem:$0x3FB5]  }
0x2d: {  	s3 =	simm.s32 $0x108;
	s8 =	sld [smem:$0x3FB6]  }
0x2e: {  	s3 =	simm.s32 @!p0 $0x1082;
	s9 =	sld [smem:$0x3FB7]  }
0x2f: {  	lr =	sadd.s32 s0, s3;
	s0 =	sld [smem:$0x3FAE]  }
0x30: {  	s3 =	sld [smem:$0x3FB1]  }
0x31: {  	[smem:$0x3FBA] =	sst s10  }
0x32: {  	s10 =	sld [smem:$0x3FB8];
	_ =	sdelay $0x3  }
0x33: {  	p0 =	seq.s32 s10, $0x1;
	s10 =	sld [smem:$0x3FBA];
	_ =	sdelay $0x3  }
0x34: {  	[smem:$0x3FBA] =	sst s10  }
0x35: {  	s10 =	sld [smem:$0x3FB9];
	_ =	sdelay $0x3  }
0x36: {  	p1 =	seq.s32 s10, $0x1;
	s10 =	sld [smem:$0x3FBA];
	_ =	sdelay $0x3  }
0x37: {  	[smem:$0x3FBA] =	sst s10  }
0x38: {  	s10 =	sld [smem:$0x3FBB]  }
0x39: {  	_ = 	snop;
	(pc) =	sbr.ind lr, $3  }
0x3a: {  	_ = 	snop  }
0x3b: {  	_ = 	snop  }
0x3c: {  	p2 =	seq.s32 s10, $0x1;
	s10 =	sld [smem:$0x3FBA]  }
0x3d: {  	_ =	shalt  }
0x3e: {  	_ =	shalt  }
0x3f: {  	_ =	shalt  }
0x40: {  	_ =	shalt  }
0x41: {  	_ =	shalt  }
0x42: {  	_ =	shalt  }
0x43: {  	_ =	shalt  }
0x44: {  	_ =	shalt  }
0x45: {  	_ =	shalt  }
0x46: {  	_ =	shalt  }
0x47: {  	_ =	shalt  }
0x48: {  	_ =	shalt  }
0x49: {  	_ =	shalt  }
0x4a: {  	_ =	shalt  }
0x4b: {  	_ =	shalt  }
0x4c: {  	_ =	shalt  }
0x4d: {  	_ =	shalt  }
0x4e: {  	_ =	shalt  }
0x4f: {  	_ =	shalt  }
0x50: {  	_ =	shalt  }
0x51: {  	_ =	shalt  }
0x52: {  	_ =	shalt  }
0x53: {  	_ =	shalt  }
0x54: {  	_ =	shalt  }
0x55: {  	_ =	shalt  }
0x56: {  	_ =	shalt  }
0x57: {  	_ =	shalt  }
0x58: {  	_ =	shalt  }
0x59: {  	_ =	shalt  }
0x5a: {  	_ =	shalt  }
0x5b: {  	_ =	shalt  }
0x5c: {  	_ =	shalt  }
0x5d: {  	_ =	shalt  }
0x5e: {  	_ =	shalt  }
0x5f: {  	_ =	shalt  }
0x60: {  	_ =	shalt  }
0x61: {  	_ =	shalt  }
0x62: {  	_ =	shalt  }
0x63: {  	_ =	shalt  }
0x64: {  	_ =	shalt  }
0x65: {  	_ =	shalt  }
0x66: {  	_ =	shalt  }
0x67: {  	_ =	shalt  }
0x68: {  	_ =	shalt  }
0x69: {  	_ =	shalt  }
0x6a: {  	_ =	shalt  }
0x6b: {  	_ =	shalt  }
0x6c: {  	_ =	shalt  }
0x6d: {  	_ =	shalt  }
0x6e: {  	_ =	shalt  }
0x6f: {  	_ =	shalt  }
0x70: {  	_ =	shalt  }
0x71: {  	_ =	shalt  }
0x72: {  	_ =	shalt  }
0x73: {  	_ =	shalt  }
0x74: {  	_ =	shalt  }
0x75: {  	_ =	shalt  }
0x76: {  	_ =	shalt  }
0x77: {  	_ =	shalt  }
0x78: {  	_ =	shalt  }
0x79: {  	_ =	shalt  }
0x7a: {  	_ =	shalt  }
0x7b: {  	_ =	shalt  }
0x7c: {  	_ =	shalt  }
0x7d: {  	_ =	shalt  }
0x7e: {  	_ =	shalt  }
0x7f: {  	_ =	shalt  }
0x80: {  	_ =	shalt  }
0x81: {  	_ =	shalt  }
0x82: {  	_ =	shalt  }
0x83: {  	_ =	shalt  }
0x84: {  	_ =	shalt  }
0x85: {  	_ =	shalt  }
0x86: {  	_ =	shalt  }
0x87: {  	_ =	shalt  }
.Lfunc_end0:
.L_simem_size_0:
called_computation_lowered:
.L_overlay_start_0:
0x88: {  	s2 =	sld [smem:$0x3FD9]  }
0x89: {  	s3 =	sld [smem:$0x3FFE];
	_ =	sdelay $0x1  }
0x8a: {  	s1 =	srdreg.scid  }
0x8b: {  	s0 =	sand.u32 $0x1, s1  }
0x8c: {  	s18 =	sshll.u32 s0, $0xA;
	s2 =	sadd.s32 s3, s2  }
0x8d: {  	s2 =	sadd.s32 s2, s18  }
0x8e: {  	[smem:$0x3FC6] =	sst s2  }
0x8f: {  	_ = 	snop  }
0x90: {  	s2 =	sld [smem:$0x3FC9]  }
0x91: {  	s19 =	sld [smem:$0x3FC8]  }
0x92: {  	s4 =	sld [smem:$0x3FD0];
	(tm) =	ssettm $0x1  }
0x93: {  	s5 =	sld [smem:$0x3FFB];
	_ =	sdelay $0x3  }
0x94: {  	_ =	strace s5  }
0x95: {  	s5 =	sld [smem:$0x3FFC];
	_ =	sdelay $0x3  }
0x96: {  	_ =	strace s5  }
0x97: {  	s5 =	sld [smem:$0x3FFD];
	_ =	sdelay $0x3  }
0x98: {  	_ =	strace s5  }
0x99: {  	_ =	strace $0x8FFFFFFF  }
0x9a: {  	s20 =	sld [smem:$0x3FDB];
	_ =	sdelay $0x1  }
0x9b: {  	s6 =	simm.s32 $_scs_section_size  }
0x9c: {  	s7 =	simm.s32 $_size__tile_overlayer_lowered;
	s8 =	simm.s32 $_tile_overlayer_lowered  }
0x9d: {  	s23 =	simm.s32 $0x1BFF;
	s22 =	sshll.u32 s8, $0x1;
	s5 =	sadd.s32 s6, s20  }
0x9e: {  	s9 =	simm.s32 $0x0;
	s21 =	sshll.u32 s7, $0x1;
	s7 =	sadd.s32 s22, s5  }
0x9f: {  	[timem:s9], [sflag:s23] =	dma.local [hbm:s7], s21  }
0xa0: {  	_ =	swait.ge [sflag:s23], s21  }
0xa1: {  	s6 =	ssub.s32 $0x0, s21;
	[sflag:s23] =	ssyncset.done $0x0  }
0xa2: {  	[sflag:s23] =	ssyncadd.s32 s6;
	_ =	sdelay $0x1  }
0xa3: {  	s24 =	simm.s32 $0x1B8B  }
0xa4: {  	_ =	swait.ge [sflag:s24], $0x1  }
0xa5: {  	[sflag:s24] =	ssyncset.done $0x0  }
0xa6: {  	s25 =	simm.s32 $0x1B8E;
	[sflag:s24] =	ssyncadd.s32 $0xFFFFFFFF  }
0xa7: {  	s26 =	simm.s32 $execute0_lowered;
	[smem:$0x3FD2] =	sst s25  }
0xa8: {  	s6 =	sshll.u32 s26, $0x1;
	_ =	strace $0x80000046;
	[dreg:$0x1] =	wrdreg $0xFFFFFFFF  }
0xa9: {  	s28 =	simm.s32 $_size_execute0_lowered;
	s5 =	sadd.s32 s5, s6;
	[dreg:$0x0] =	wrdreg $0x0  }
0xaa: {  	s6 =	sshll.u32 s28, $0x1;
	[dreg:$0x2] =	wrdreg s5  }
0xab: {  	[dreg:$0x3] =	wrdreg s6  }
0xac: {  	[dreg:$0x4] =	wrdreg $0xC0  }
0xad: {  	_ =	task [dreg:s9], $0x5FFFF  }
0xae: {  	[dreg:$0x1] =	wrdreg $0xFFFFFFFF  }
0xaf: {  	[dreg:$0x0] =	wrdreg $0x60  }
0xb0: {  	[dreg:$0x2] =	wrdreg s2  }
0xb1: {  	[dreg:$0x3] =	wrdreg s19  }
0xb2: {  	[dreg:$0x4] =	wrdreg s4  }
0xb3: {  	[dreg:$0x5] =	wrdreg $0x9  }
0xb4: {  	_ =	task.clear_ibuf [dreg:s9], $0x6FFFF;
	_ =	strace $0x90000046  }
0xb5: {  	s29 =	simm.s32 $0x9;
	_ =	strace $0x80000048  }
0xb6: {  	_ =	swait.ge [sflag:s29], $0x1  }
0xb7: {  	[sflag:s29] =	ssyncadd.s32 $0xFFFFFFFF  }
0xb8: {  	_ =	strace $0x90000048  }
0xb9: {  	_ =	sfence  }
0xba: {  	s30 =	sld [smem:$0x0];
	_ =	sdelay $0x2  }
0xbb: {  	s31 =	sshll.u32 s1, $0xD;
	s1 =	sshrl.u32 s1, $0x2  }
0xbc: {  	s3 =	sand.u32 $0x4000, s31;
	s1 =	sadd.s32 s1, s30  }
0xbd: {  	s0 =	sor.u32 s3, s0;
	s1 =	sshll.u32 s1, $0x11  }
0xbe: {  	s0 =	sor.u32 s1, s0  }
0xbf: {  	s0 =	sadd.s32 $0x8F2B, s0  }
0xc0: {  	[sflag:s0] =	ssyncadd.remote.s32 $0x1  }
0xc1: {  	_ =	sfence.sel $0xFFFF  }
0xc2: {  	[dreg:$0x0] =	wrdreg $0xFFFFFFFF;
	(pc) =	sbr.abs _section_cstart, $3  }
0xc3: {  	[dreg:$0x1] =	wrdreg $0xFFFFFFFF  }
0xc4: {  	_ =	task.clear_ibuf [dreg:s9], $0x2FFFF;
	_ =	strace $0x9FFFFFFF  }
0xc5: {  	(tm) =	ssettm $0x7FFFFFFF  }
tec
execute0_lowered:
.L_overlay_start_1:
0x0: {  	(tag) =	ssettag $0x1  }
0x1: {  	s0 =	rddreg [dreg:$0x0]  }
0x2: {  	s1 =	srdreg.scid;
	s3 =	rddreg [dreg:$0x1]  }
0x3: {  	s8 =	rddreg [dreg:$0x2];
	s2 =	stileid.u32;
	s4 =	simm.s32 $0x0  }
0x4: {  	s12 =	simm.s32 $0x400;
	s13 =	simm.s32 $0x18700;
	s14 =	simm.s32 $0x3  }
0x5: {  	s15 =	simm.s32 $0x1;
	s16 =	simm.s32 $0x19700;
	s17 =	simm.s32 $0x2  }
0x6: {  	s18 =	simm.s32 $0x1A700;
	s5 =	sand.u32 $0x1, s1;
	s1 =	rddreg [dreg:$0x3]  }
0x7: {  	s19 =	simm.s32 $0x0;
	[smem:$0x7FF] =	sst s4;
	s6 =	sshll.u32 s5, $0x4  }
0x8: {  	s9 =	sshll.u32 s2, $0x7;
	s31 =	sshll.u32 s2, $0x4;
	s7 =	sor.u32 s2, s6  }
0x9: {  	s5 =	ssub.s32 $0x2, s5;
	_ =	strace $0x80000047;
	s6 =	sshrl.u32 s7, $0x3  }
0xa: {  	s9 =	sand.u32 $0x380, s9;
	s10 =	sshrl.u32 s5, $0x1;
	s6 =	smul.u32 $0xC3800, s6  }
0xb: {  	s10 =	ssub.s32 s5, s10;
	s11 =	sshll.u32 s7, $0xB;
	s7 =	sadd.s32 $0x2000, s0  }
0xc: {  	s11 =	sand.u32 $0xC000, s11;
	s5 =	sor.u32 s9, s6;
	s9 =	sand.u32 $0x70, s31  }
0xd: {  	s10 =	smax.u32 s10, $0x1;
	s6 =	sadd.s32 $0x1000, s0;
	s9 =	sadd.s32 s8, s9  }
0xe: {  	v0 =	vimm.f32 $0.0e+00;
	s8 =	sadd.s32 $0x3000, s0;
	s9 =	sadd.s32 s11, s9;
	s11 =	simm.s32 $0x80  }
.LBB2_1:
0xf: {  	s20 =	simm.s32 $0x0;
	[tilespmem:s18+$0x0] =	vst v0;
	s21 =	simm.s32 $0x1A700  }
.LBB2_2:
0x10: {  	s20 =	sadd.s32 $0x10, s20  }
0x11: {  	p0 =	slt.u32 s20, $0x3FF0  }
.Ltmp0:
0x12: {  	_ = 	snop;
	(pc) =	sbr.rel @p0 .LBB2_2-.Ltmp0, $3  }
0x13: {  	_ =	sdelay $0x1  }
0x14: {  	s21 =	sadd.s32 $0x10, s21  }
0x15: {  	[tilespmem:s21+$0x0] =	vst v0  }
0x16: {  	[tilespmem:s13], [sflag:$0x1] =	stream.strided.gather [hbm4b:s0+s11], $0x1000, s12, s11, $0x38;
	[tilespmem:$0x1E700] =	vst v63  }
0x17: {  	s20 =	simm.s32 $0x0;
	s22 =	simm.s32 $0x0  }
.LBB2_5:
0x18: {  	s30 =	smul.u32 $0x30E000, s22;
	_ =	sdelay $0x1  }
0x19: {  	s21 =	smov.u32 s22;
	s22 =	sadd.s32 s5, s30  }
0x1a: {  	s22 =	sshrl.u32 s22, $0x3  }
0x1b: {  	s22 =	sadd.s32 s3, s22  }
0x1c: {  	[tilespmem:s20], [sflag:$0x3] =	stream.strided.gather [hbm4b:s22+s11], $0x18700, s12, s11, $0x38;
	[tilespmem:$0x1E700] =	vst v63  }
0x1d: {  	_ =	swait.ge [sflag:s14], $0x18700  }
0x1e: {  	[sflag:s14] =	ssyncset.done $0x0  }
0x1f: {  	s31 =	sshll.u32 s21, $0xB;
	s23 =	sshll.u32 s21, $0x4;
	[sflag:s14] =	ssyncadd.s32 $0xFFFE7900  }
0x20: {  	s23 =	sand.u32 $0x70, s23;
	s22 =	sand.u32 $0xC000, s31;
	_ =	swait.ge [sflag:s15], $0x1000  }
0x21: {  	s22 =	sor.u32 s23, s22;
	[sflag:s15] =	ssyncset.done $0x0  }
0x22: {  	s23 =	sadd.s32 s22, s6;
	[sflag:s15] =	ssyncadd.s32 $0xFFFFF000  }
0x23: {  	[tilespmem:s16], [sflag:$0x2] =	stream.strided.gather [hbm4b:s23+s11], $0x1000, s12, s11, $0x38;
	[tilespmem:$0x1E700] =	vst v63  }
0x24: {  	s23 =	simm.s32 $0x0  }
0x25: {  	v1 =	vld [tilespmem:s23+$0x18770]  }
0x26: {  	v2 =	vld [tilespmem:s23+$0x18700]  }
0x27: {  	v3 =	vld [tilespmem:s23+$0x18710]  }
0x28: {  	v4 =	vld [tilespmem:s23+$0x18720]  }
0x29: {  	v5 =	vld [tilespmem:s23+$0x18730]  }
0x2a: {  	v6 =	vld [tilespmem:s23+$0x18740]  }
0x2b: {  	v7 =	vld [tilespmem:s23+$0x18750]  }
0x2c: {  	v8 =	vld [tilespmem:s23+$0x18760]  }
0x2d: {  	v1 =	vld.idx.msk [tilespmem:v1+s4+$0x0], $0xffff  }
0x2e: {  	v2 =	vld.idx.msk [tilespmem:v2+s4+$0x0], $0xffff  }
0x2f: {  	v3 =	vld.idx.msk [tilespmem:v3+s4+$0x0], $0xffff  }
0x30: {  	v4 =	vld.idx.msk [tilespmem:v4+s4+$0x0], $0xffff  }
0x31: {  	v5 =	vld.idx.msk [tilespmem:v5+s4+$0x0], $0xffff  }
0x32: {  	v6 =	vld.idx.msk [tilespmem:v6+s4+$0x0], $0xffff  }
0x33: {  	v7 =	vld.idx.msk [tilespmem:v7+s4+$0x0], $0xffff  }
0x34: {  	[tilespmem:s23+$0x1A770] =	vst.add.f32.msk $0xffff, v1  }
0x35: {  	v1 =	vld.idx.msk [tilespmem:v8+s4+$0x0], $0xffff  }
0x36: {  	[tilespmem:s23+$0x1A700] =	vst.add.f32.msk $0xffff, v2  }
0x37: {  	[tilespmem:s23+$0x1A710] =	vst.add.f32.msk $0xffff, v3  }
0x38: {  	[tilespmem:s23+$0x1A720] =	vst.add.f32.msk $0xffff, v4  }
0x39: {  	[tilespmem:s23+$0x1A730] =	vst.add.f32.msk $0xffff, v5  }
0x3a: {  	[tilespmem:s23+$0x1A740] =	vst.add.f32.msk $0xffff, v6  }
0x3b: {  	s24 =	simm.s32 $0x0;
	s25 =	simm.s32 $0x200;
	[tilespmem:s23+$0x1A750] =	vst.add.f32.msk $0xffff, v7  }
.LBB2_6:
0x3c: {  	s24 =	sadd.s32 $0x80, s24;
	[tilespmem:s23+$0x1A760] =	vst.add.f32.msk $0xffff, v1;
	s23 =	sshra.s32 s25, $0x2  }
0x3d: {  	v1 =	vld [tilespmem:s23+$0x18770];
	p0 =	slt.u32 s24, $0xF80  }
0x3e: {  	v2 =	vld [tilespmem:s23+$0x18700]  }
0x3f: {  	v3 =	vld [tilespmem:s23+$0x18710]  }
0x40: {  	v4 =	vld [tilespmem:s23+$0x18720]  }
0x41: {  	v5 =	vld [tilespmem:s23+$0x18730]  }
0x42: {  	v6 =	vld [tilespmem:s23+$0x18740]  }
0x43: {  	v7 =	vld [tilespmem:s23+$0x18750]  }
0x44: {  	v8 =	vld [tilespmem:s23+$0x18760]  }
0x45: {  	v1 =	vld.idx.msk [tilespmem:v1+s4+$0x0], $0xffff  }
0x46: {  	v2 =	vld.idx.msk [tilespmem:v2+s4+$0x0], $0xffff  }
0x47: {  	v3 =	vld.idx.msk [tilespmem:v3+s4+$0x0], $0xffff  }
0x48: {  	v4 =	vld.idx.msk [tilespmem:v4+s4+$0x0], $0xffff  }
0x49: {  	v5 =	vld.idx.msk [tilespmem:v5+s4+$0x0], $0xffff  }
0x4a: {  	v6 =	vld.idx.msk [tilespmem:v6+s4+$0x0], $0xffff  }
0x4b: {  	[tilespmem:s23+$0x1A770] =	vst.add.f32.msk $0xffff, v1  }
0x4c: {  	v7 =	vld.idx.msk [tilespmem:v7+s4+$0x0], $0xffff  }
0x4d: {  	v1 =	vld.idx.msk [tilespmem:v8+s4+$0x0], $0xffff  }
0x4e: {  	[tilespmem:s23+$0x1A700] =	vst.add.f32.msk $0xffff, v2  }
.Ltmp1:
0x4f: {  	[tilespmem:s23+$0x1A710] =	vst.add.f32.msk $0xffff, v3;
	(pc) =	sbr.rel @p0 .LBB2_6-.Ltmp1, $4  }
0x50: {  	[tilespmem:s23+$0x1A720] =	vst.add.f32.msk $0xffff, v4  }
0x51: {  	[tilespmem:s23+$0x1A730] =	vst.add.f32.msk $0xffff, v5  }
0x52: {  	[tilespmem:s23+$0x1A740] =	vst.add.f32.msk $0xffff, v6  }
0x53: {  	s25 =	sadd.s32 $0x200, s25;
	[tilespmem:s23+$0x1A750] =	vst.add.f32.msk $0xffff, v7  }
0x54: {  	[tilespmem:s23+$0x1A760] =	vst.add.f32.msk $0xffff, v1  }
0x55: {  	_ =	swait.ge [sflag:s17], $0x1000  }
0x56: {  	[sflag:s17] =	ssyncset.done $0x0  }
0x57: {  	s31 =	sadd.s32 s22, s7;
	s23 =	simm.s32 $0x0;
	[sflag:s17] =	ssyncadd.s32 $0xFFFFF000  }
0x58: {  	[tilespmem:s13], [sflag:$0x1] =	stream.strided.gather [hbm4b:s31+s11], $0x1000, s12, s11, $0x38;
	[tilespmem:$0x1E700] =	vst v63  }
0x59: {  	v1 =	vld [tilespmem:s23+$0x19770]  }
0x5a: {  	v2 =	vld [tilespmem:s23+$0x19700]  }
0x5b: {  	v3 =	vld [tilespmem:s23+$0x19710]  }
0x5c: {  	v4 =	vld [tilespmem:s23+$0x19720]  }
0x5d: {  	v5 =	vld [tilespmem:s23+$0x19730]  }
0x5e: {  	v6 =	vld [tilespmem:s23+$0x19740]  }
0x5f: {  	v7 =	vld [tilespmem:s23+$0x19750]  }
0x60: {  	v8 =	vld [tilespmem:s23+$0x19760]  }
0x61: {  	v1 =	vld.idx.msk [tilespmem:v1+s4+$0x0], $0xffff  }
0x62: {  	v2 =	vld.idx.msk [tilespmem:v2+s4+$0x0], $0xffff  }
0x63: {  	v3 =	vld.idx.msk [tilespmem:v3+s4+$0x0], $0xffff  }
0x64: {  	v4 =	vld.idx.msk [tilespmem:v4+s4+$0x0], $0xffff  }
0x65: {  	v5 =	vld.idx.msk [tilespmem:v5+s4+$0x0], $0xffff  }
0x66: {  	v6 =	vld.idx.msk [tilespmem:v6+s4+$0x0], $0xffff  }
0x67: {  	v7 =	vld.idx.msk [tilespmem:v7+s4+$0x0], $0xffff  }
0x68: {  	[tilespmem:s23+$0x1B770] =	vst.add.f32.msk $0xffff, v1  }
0x69: {  	v1 =	vld.idx.msk [tilespmem:v8+s4+$0x0], $0xffff  }
0x6a: {  	[tilespmem:s23+$0x1B700] =	vst.add.f32.msk $0xffff, v2  }
0x6b: {  	[tilespmem:s23+$0x1B710] =	vst.add.f32.msk $0xffff, v3  }
0x6c: {  	[tilespmem:s23+$0x1B720] =	vst.add.f32.msk $0xffff, v4  }
0x6d: {  	[tilespmem:s23+$0x1B730] =	vst.add.f32.msk $0xffff, v5  }
0x6e: {  	[tilespmem:s23+$0x1B740] =	vst.add.f32.msk $0xffff, v6  }
0x6f: {  	s24 =	simm.s32 $0x0;
	s25 =	simm.s32 $0x200;
	[tilespmem:s23+$0x1B750] =	vst.add.f32.msk $0xffff, v7  }
.LBB2_8:
0x70: {  	s24 =	sadd.s32 $0x80, s24;
	[tilespmem:s23+$0x1B760] =	vst.add.f32.msk $0xffff, v1;
	s23 =	sshra.s32 s25, $0x2  }
0x71: {  	v1 =	vld [tilespmem:s23+$0x19770];
	p0 =	slt.u32 s24, $0xF80  }
0x72: {  	v2 =	vld [tilespmem:s23+$0x19700]  }
0x73: {  	v3 =	vld [tilespmem:s23+$0x19710]  }
0x74: {  	v4 =	vld [tilespmem:s23+$0x19720]  }
0x75: {  	v5 =	vld [tilespmem:s23+$0x19730]  }
0x76: {  	v6 =	vld [tilespmem:s23+$0x19740]  }
0x77: {  	v7 =	vld [tilespmem:s23+$0x19750]  }
0x78: {  	v8 =	vld [tilespmem:s23+$0x19760]  }
0x79: {  	v1 =	vld.idx.msk [tilespmem:v1+s4+$0x0], $0xffff  }
0x7a: {  	v2 =	vld.idx.msk [tilespmem:v2+s4+$0x0], $0xffff  }
0x7b: {  	v3 =	vld.idx.msk [tilespmem:v3+s4+$0x0], $0xffff  }
0x7c: {  	v4 =	vld.idx.msk [tilespmem:v4+s4+$0x0], $0xffff  }
0x7d: {  	v5 =	vld.idx.msk [tilespmem:v5+s4+$0x0], $0xffff  }
0x7e: {  	v6 =	vld.idx.msk [tilespmem:v6+s4+$0x0], $0xffff  }
0x7f: {  	[tilespmem:s23+$0x1B770] =	vst.add.f32.msk $0xffff, v1  }
0x80: {  	v7 =	vld.idx.msk [tilespmem:v7+s4+$0x0], $0xffff  }
0x81: {  	v1 =	vld.idx.msk [tilespmem:v8+s4+$0x0], $0xffff  }
0x82: {  	[tilespmem:s23+$0x1B700] =	vst.add.f32.msk $0xffff, v2  }
.Ltmp2:
0x83: {  	[tilespmem:s23+$0x1B710] =	vst.add.f32.msk $0xffff, v3;
	(pc) =	sbr.rel @p0 .LBB2_8-.Ltmp2, $4  }
0x84: {  	[tilespmem:s23+$0x1B720] =	vst.add.f32.msk $0xffff, v4  }
0x85: {  	[tilespmem:s23+$0x1B730] =	vst.add.f32.msk $0xffff, v5  }
0x86: {  	[tilespmem:s23+$0x1B740] =	vst.add.f32.msk $0xffff, v6  }
0x87: {  	s25 =	sadd.s32 $0x200, s25;
	[tilespmem:s23+$0x1B750] =	vst.add.f32.msk $0xffff, v7  }
0x88: {  	[tilespmem:s23+$0x1B760] =	vst.add.f32.msk $0xffff, v1  }
0x89: {  	_ =	swait.ge [sflag:s15], $0x1000  }
0x8a: {  	[sflag:s15] =	ssyncset.done $0x0  }
0x8b: {  	s22 =	sadd.s32 s22, s8;
	s23 =	simm.s32 $0x0;
	[sflag:s15] =	ssyncadd.s32 $0xFFFFF000  }
0x8c: {  	[tilespmem:s16], [sflag:$0x2] =	stream.strided.gather [hbm4b:s22+s11], $0x1000, s12, s11, $0x38;
	[tilespmem:$0x1E700] =	vst v63  }
0x8d: {  	v1 =	vld [tilespmem:s23+$0x18770]  }
0x8e: {  	v2 =	vld [tilespmem:s23+$0x18700]  }
0x8f: {  	v3 =	vld [tilespmem:s23+$0x18710]  }
0x90: {  	v4 =	vld [tilespmem:s23+$0x18720]  }
0x91: {  	v5 =	vld [tilespmem:s23+$0x18730]  }
0x92: {  	v6 =	vld [tilespmem:s23+$0x18740]  }
0x93: {  	v7 =	vld [tilespmem:s23+$0x18750]  }
0x94: {  	v8 =	vld [tilespmem:s23+$0x18760]  }
0x95: {  	v1 =	vld.idx.msk [tilespmem:v1+s4+$0x0], $0xffff  }
0x96: {  	v2 =	vld.idx.msk [tilespmem:v2+s4+$0x0], $0xffff  }
0x97: {  	v3 =	vld.idx.msk [tilespmem:v3+s4+$0x0], $0xffff  }
0x98: {  	v4 =	vld.idx.msk [tilespmem:v4+s4+$0x0], $0xffff  }
0x99: {  	v5 =	vld.idx.msk [tilespmem:v5+s4+$0x0], $0xffff  }
0x9a: {  	v6 =	vld.idx.msk [tilespmem:v6+s4+$0x0], $0xffff  }
0x9b: {  	v7 =	vld.idx.msk [tilespmem:v7+s4+$0x0], $0xffff  }
0x9c: {  	[tilespmem:s23+$0x1C770] =	vst.add.f32.msk $0xffff, v1  }
0x9d: {  	v1 =	vld.idx.msk [tilespmem:v8+s4+$0x0], $0xffff  }
0x9e: {  	[tilespmem:s23+$0x1C700] =	vst.add.f32.msk $0xffff, v2  }
0x9f: {  	[tilespmem:s23+$0x1C710] =	vst.add.f32.msk $0xffff, v3  }
0xa0: {  	[tilespmem:s23+$0x1C720] =	vst.add.f32.msk $0xffff, v4  }
0xa1: {  	[tilespmem:s23+$0x1C730] =	vst.add.f32.msk $0xffff, v5  }
0xa2: {  	[tilespmem:s23+$0x1C740] =	vst.add.f32.msk $0xffff, v6  }
0xa3: {  	s24 =	simm.s32 $0x200;
	s22 =	simm.s32 $0x0;
	[tilespmem:s23+$0x1C750] =	vst.add.f32.msk $0xffff, v7  }
.LBB2_10:
0xa4: {  	s22 =	sadd.s32 $0x80, s22;
	[tilespmem:s23+$0x1C760] =	vst.add.f32.msk $0xffff, v1;
	s23 =	sshra.s32 s24, $0x2  }
0xa5: {  	v1 =	vld [tilespmem:s23+$0x18770];
	p0 =	slt.u32 s22, $0xF80  }
0xa6: {  	v2 =	vld [tilespmem:s23+$0x18700]  }
0xa7: {  	v3 =	vld [tilespmem:s23+$0x18710]  }
0xa8: {  	v4 =	vld [tilespmem:s23+$0x18720]  }
0xa9: {  	v5 =	vld [tilespmem:s23+$0x18730]  }
0xaa: {  	v6 =	vld [tilespmem:s23+$0x18740]  }
0xab: {  	v7 =	vld [tilespmem:s23+$0x18750]  }
0xac: {  	v8 =	vld [tilespmem:s23+$0x18760]  }
0xad: {  	v1 =	vld.idx.msk [tilespmem:v1+s4+$0x0], $0xffff  }
0xae: {  	v2 =	vld.idx.msk [tilespmem:v2+s4+$0x0], $0xffff  }
0xaf: {  	v3 =	vld.idx.msk [tilespmem:v3+s4+$0x0], $0xffff  }
0xb0: {  	v4 =	vld.idx.msk [tilespmem:v4+s4+$0x0], $0xffff  }
0xb1: {  	v5 =	vld.idx.msk [tilespmem:v5+s4+$0x0], $0xffff  }
0xb2: {  	v6 =	vld.idx.msk [tilespmem:v6+s4+$0x0], $0xffff  }
0xb3: {  	[tilespmem:s23+$0x1C770] =	vst.add.f32.msk $0xffff, v1  }
0xb4: {  	v7 =	vld.idx.msk [tilespmem:v7+s4+$0x0], $0xffff  }
0xb5: {  	v1 =	vld.idx.msk [tilespmem:v8+s4+$0x0], $0xffff  }
0xb6: {  	[tilespmem:s23+$0x1C700] =	vst.add.f32.msk $0xffff, v2  }
.Ltmp3:
0xb7: {  	[tilespmem:s23+$0x1C710] =	vst.add.f32.msk $0xffff, v3;
	(pc) =	sbr.rel @p0 .LBB2_10-.Ltmp3, $4  }
0xb8: {  	[tilespmem:s23+$0x1C720] =	vst.add.f32.msk $0xffff, v4  }
0xb9: {  	[tilespmem:s23+$0x1C730] =	vst.add.f32.msk $0xffff, v5  }
0xba: {  	[tilespmem:s23+$0x1C740] =	vst.add.f32.msk $0xffff, v6  }
0xbb: {  	s24 =	sadd.s32 $0x200, s24;
	[tilespmem:s23+$0x1C750] =	vst.add.f32.msk $0xffff, v7  }
0xbc: {  	s22 =	sadd.s32 $0x1, s21;
	p0 =	seq.s32 s21, $0x19  }
0xbd: {  	[tilespmem:s23+$0x1C760] =	vst.add.f32.msk $0xffff, v1;
	s21 =	smin.u32 @!p0 s22, $0x19  }
0xbe: {  	_ =	swait.ge [sflag:s17], $0x1000;
	s24 =	simm.s32 @!p0 $0x400;
	s23 =	sshll.u32 @!p0 s21, $0x4  }
0xbf: {  	s25 =	simm.s32 @!p0 $0x18700;
	s21 =	sshll.u32 @!p0 s21, $0xB;
	s23 =	sand.u32 @!p0 $0x70, s23  }
0xc0: {  	[sflag:s17] =	ssyncset.done $0x0;
	s21 =	sand.u32 @!p0 $0xC000, s21;
	s23 =	sadd.s32 @!p0 s0, s23  }
0xc1: {  	[sflag:s17] =	ssyncadd.s32 $0xFFFFF000;
	s21 =	sadd.s32 @!p0 s21, s23;
	s23 =	simm.s32 @!p0 $0x80  }
0xc2: {  	[tilespmem:s25], [sflag:$0x1] =	stream.strided.gather @!p0 [hbm4b:s21+s23], $0x1000, s24, s23, $0x38;
	[tilespmem:$0x1E700] =	vst v63  }
0xc3: {  	s21 =	simm.s32 $0x0  }
0xc4: {  	v1 =	vld [tilespmem:s21+$0x19770]  }
0xc5: {  	v2 =	vld [tilespmem:s21+$0x19700]  }
0xc6: {  	v3 =	vld [tilespmem:s21+$0x19710]  }
0xc7: {  	v4 =	vld [tilespmem:s21+$0x19720]  }
0xc8: {  	v5 =	vld [tilespmem:s21+$0x19730]  }
0xc9: {  	v6 =	vld [tilespmem:s21+$0x19740]  }
0xca: {  	v7 =	vld [tilespmem:s21+$0x19750]  }
0xcb: {  	v8 =	vld [tilespmem:s21+$0x19760]  }
0xcc: {  	v1 =	vld.idx.msk [tilespmem:v1+s4+$0x0], $0xffff  }
0xcd: {  	v2 =	vld.idx.msk [tilespmem:v2+s4+$0x0], $0xffff  }
0xce: {  	v3 =	vld.idx.msk [tilespmem:v3+s4+$0x0], $0xffff  }
0xcf: {  	v4 =	vld.idx.msk [tilespmem:v4+s4+$0x0], $0xffff  }
0xd0: {  	v5 =	vld.idx.msk [tilespmem:v5+s4+$0x0], $0xffff  }
0xd1: {  	v6 =	vld.idx.msk [tilespmem:v6+s4+$0x0], $0xffff  }
0xd2: {  	v7 =	vld.idx.msk [tilespmem:v7+s4+$0x0], $0xffff  }
0xd3: {  	[tilespmem:s21+$0x1D770] =	vst.add.f32.msk $0xffff, v1  }
0xd4: {  	v1 =	vld.idx.msk [tilespmem:v8+s4+$0x0], $0xffff  }
0xd5: {  	[tilespmem:s21+$0x1D700] =	vst.add.f32.msk $0xffff, v2  }
0xd6: {  	[tilespmem:s21+$0x1D710] =	vst.add.f32.msk $0xffff, v3  }
0xd7: {  	[tilespmem:s21+$0x1D720] =	vst.add.f32.msk $0xffff, v4  }
0xd8: {  	[tilespmem:s21+$0x1D730] =	vst.add.f32.msk $0xffff, v5  }
0xd9: {  	[tilespmem:s21+$0x1D740] =	vst.add.f32.msk $0xffff, v6  }
0xda: {  	s23 =	simm.s32 $0x0;
	s24 =	simm.s32 $0x200;
	[tilespmem:s21+$0x1D750] =	vst.add.f32.msk $0xffff, v7  }
.LBB2_12:
0xdb: {  	s23 =	sadd.s32 $0x80, s23;
	[tilespmem:s21+$0x1D760] =	vst.add.f32.msk $0xffff, v1;
	s21 =	sshra.s32 s24, $0x2  }
0xdc: {  	v1 =	vld [tilespmem:s21+$0x19770];
	p0 =	slt.u32 s23, $0xF80  }
0xdd: {  	v2 =	vld [tilespmem:s21+$0x19700]  }
0xde: {  	v3 =	vld [tilespmem:s21+$0x19710]  }
0xdf: {  	v4 =	vld [tilespmem:s21+$0x19720]  }
0xe0: {  	v5 =	vld [tilespmem:s21+$0x19730]  }
0xe1: {  	v6 =	vld [tilespmem:s21+$0x19740]  }
0xe2: {  	v7 =	vld [tilespmem:s21+$0x19750]  }
0xe3: {  	v8 =	vld [tilespmem:s21+$0x19760]  }
0xe4: {  	v1 =	vld.idx.msk [tilespmem:v1+s4+$0x0], $0xffff  }
0xe5: {  	v2 =	vld.idx.msk [tilespmem:v2+s4+$0x0], $0xffff  }
0xe6: {  	v3 =	vld.idx.msk [tilespmem:v3+s4+$0x0], $0xffff  }
0xe7: {  	v4 =	vld.idx.msk [tilespmem:v4+s4+$0x0], $0xffff  }
0xe8: {  	v5 =	vld.idx.msk [tilespmem:v5+s4+$0x0], $0xffff  }
0xe9: {  	v6 =	vld.idx.msk [tilespmem:v6+s4+$0x0], $0xffff  }
0xea: {  	[tilespmem:s21+$0x1D770] =	vst.add.f32.msk $0xffff, v1  }
0xeb: {  	v7 =	vld.idx.msk [tilespmem:v7+s4+$0x0], $0xffff  }
0xec: {  	v1 =	vld.idx.msk [tilespmem:v8+s4+$0x0], $0xffff  }
0xed: {  	[tilespmem:s21+$0x1D700] =	vst.add.f32.msk $0xffff, v2  }
.Ltmp4:
0xee: {  	[tilespmem:s21+$0x1D710] =	vst.add.f32.msk $0xffff, v3;
	(pc) =	sbr.rel @p0 .LBB2_12-.Ltmp4, $4  }
0xef: {  	[tilespmem:s21+$0x1D720] =	vst.add.f32.msk $0xffff, v4  }
0xf0: {  	[tilespmem:s21+$0x1D730] =	vst.add.f32.msk $0xffff, v5  }
0xf1: {  	[tilespmem:s21+$0x1D740] =	vst.add.f32.msk $0xffff, v6  }
0xf2: {  	s24 =	sadd.s32 $0x200, s24;
	[tilespmem:s21+$0x1D750] =	vst.add.f32.msk $0xffff, v7  }
0xf3: {  	[tilespmem:s21+$0x1D760] =	vst.add.f32.msk $0xffff, v1  }
0xf4: {  	p0 =	seq.s32 s22, $0x1A  }
.Ltmp5:
0xf5: {  	_ = 	snop;
	(pc) =	sbr.rel @!p0 .LBB2_5-.Ltmp5, $1  }
0xf6: {  	_ =	sdelay $0x3  }
0xf7: {  	s19 =	sadd.s32 $0x1, s19  }
0xf8: {  	p0 =	sne.s32 s19, s10  }
.Ltmp6:
0xf9: {  	_ = 	snop;
	(pc) =	sbr.rel @p0 .LBB2_1-.Ltmp6, $4  }
0xfa: {  	[hbm4b:s9+s11] =	stream.strided.scatter [tilespmem:s18], [sflag:$0x3], $0x4000, s12, s11, $0x38;
	[tilespmem:$0x1E700] =	vst v63  }
0xfb: {  	_ =	swait.ge [sflag:s14], $0x4000  }
0xfc: {  	[sflag:s14] =	ssyncset.done $0x0  }
0xfd: {  	[sflag:s14] =	ssyncadd.s32 $0xFFFFC000  }
0xfe: {  	_ =	sfence.sel $0x180000  }
0xff: {  	[bflag:$0x0] =	sbarrier.arrive $0xFFFF  }
0x100: {  	p0 =	sne.s32 s2, $0x0;
	_ =	strace $0x90000047  }
0x101: {  	s0 =	sadd.s32 @!p0 $0x100000, s1;
	[bflag:$0x2] =	sbarrier.arrive $0xFFFF  }
0x102: {  	[sflag:s0] =	ssyncadd.tile.s32 @!p0 $0x1;
	_ =	shalt  }
.Lfunc_end2:
_tile_overlayer_lowered:
.L_overlay_start_2:
0x103: {  	(tag) =	ssettag $0x2  }
0x104: {  	s0 =	rddreg [dreg:$0x0];
	s2 =	stileid.u32  }
0x105: {  	s1 =	rddreg [dreg:$0x1];
	p0 =	sne.s32 s2, $0x0  }
0x106: {  	s3 =	rddreg [dreg:$0x2];
	[bflag:$0x3] =	sbarrier.arrive $0xFFFF;
	s2 =	simm.s32 @!p0 $0x1C03  }
0x107: {  	[timem:s3], [sflag:s2] =	dma.local @!p0 [hbm:s0], s1  }
0x108: {  	s0 =	simm.s32 @!p0 $0x3  }
0x109: {  	_ =	swait.ge @!p0 [sflag:s0], s1  }
0x10a: {  	s1 =	ssub.s32 @!p0 $0x0, s1;
	[sflag:s0] =	ssyncset.done @!p0 $0x0  }
0x10b: {  	[sflag:s0] =	ssyncadd.s32 @!p0 s1  }
0x10c: {  	[bflag:$0x3] =	sbarrier.arrive $0xFFFF  }
0x10d: {  	_ =	shalt  }

</sc_bundles>
